<compile_context>
chip_gen: v7x
topology: tpu7x:2x2x1
jax: 0.10.2.dev20260603
libtpu: 0.0.44.dev20260713+nightly
codegen_flags: <defaults>
</compile_context>

<pallas_src>
import functools

import jax
import jax.numpy as jnp
from jax import lax
from jax.experimental import pallas as pl
from jax.experimental.pallas import tpu as pltpu
from jax.experimental.pallas import tpu_sc as plsc

B = 16
H = W = 384
NPTS = 512
L = 16
HALF = H // 2
VECS = NPTS // L

_mesh = plsc.VectorSubcoreMesh(core_axis_name="c", subcore_axis_name="s")


@functools.partial(
    pl.kernel,
    mesh=_mesh,
    out_type=jax.ShapeDtypeStruct((2, B, L), jnp.float32),
    scratch_types=[
        pltpu.VMEM((3, NPTS), jnp.float32),
        pltpu.VMEM((HALF, W), jnp.float32),
        pltpu.VMEM((L,), jnp.float32),
        pltpu.SemaphoreType.DMA,
    ],
    compiler_params=pltpu.CompilerParams(needs_layout_passes=False),
)
def _depth_loss_kernel(
    img_hbm, rd_hbm, out_hbm,
    rd_v, img_v, part_v, sem,
):
    b = lax.axis_index("s")
    h = lax.axis_index("c")

    img2 = img_hbm.reshape(B * H, W)
    row0 = h * HALF
    cp0 = pltpu.async_copy(
        img2.at[pl.ds(b * H + row0, HALF), :], img_v, sem
    )
    cp1 = pltpu.async_copy(rd_hbm.at[:, b, :], rd_v, sem)
    cp0.wait()
    cp1.wait()

    def step(v, carry):
        acc, cnt = carry
        for u in range(4):
            sl = pl.ds((v * 4 + u) * L, L)
            ri = rd_v[0, sl].astype(jnp.int32)
            ci = rd_v[1, sl].astype(jnp.int32)
            d = rd_v[2, sl]
            rl = ri - row0
            inh = (rl >= 0) & (rl < HALF)
            m = inh & (d > 0.0)
            g = plsc.load_gather(img_v, [jnp.where(inh, rl, 0), ci])
            acc = acc + jnp.where(m, jnp.abs(g - d), 0.0)
            cnt = cnt + jnp.where(m, 1.0, 0.0)
        return acc, cnt

    acc = jnp.zeros((L,), jnp.float32)
    cnt = jnp.zeros((L,), jnp.float32)
    acc, cnt = lax.fori_loop(0, VECS // 4, step, (acc, cnt))

    lane = lax.iota(jnp.int32, L)
    sv = jnp.full((L,), jnp.sum(acc), jnp.float32)
    cv = jnp.full((L,), jnp.sum(cnt), jnp.float32)
    part_v[...] = jnp.where(lane == 0, sv, jnp.where(lane == 1, cv, 0.0))
    pltpu.sync_copy(part_v, out_hbm.at[h, b])


@jax.jit
def kernel(output, rdepth):
    res = _depth_loss_kernel(output, rdepth.transpose(2, 0, 1))
    tot = jnp.sum(res, axis=(0, 1))
    s = tot[0]
    c = tot[1]
    return jnp.where(c > 0.0, s / jnp.maximum(c, 1.0), jnp.float32(0.0))

# --- scband reference (transcript-rebuilt; emitter-appended) ---
"""Pipeline reference for scband-depth-loss-16810501997336 (READ-ONLY COPY).

The authoritative reference and input builder live on the scoring server;
editing this copy changes nothing except your own understanding.
"""

import jax, jax.numpy as jnp
import numpy as np

def setup_inputs(seed: int = 0):
    key = jax.random.key(seed)
    k1, k2 = jax.random.split(key)
    output = jax.random.normal(k1, (16, 1, 384, 384), dtype=jnp.float32)
    rdepth = jax.random.randint(k2, (16, 512, 3), 0, 384).astype(jnp.float32)
    return {"output": output, "rdepth": rdepth}

def reference(output, rdepth):
    # Vectorized, faithful translation of DepthLoss.forward:
    # for each batch i and point j with rdepth[i,j,2] > 0:
    #   loss += |output[i, 0, int(rdepth[i,j,0]), int(rdepth[i,j,1])] - rdepth[i,j,2]|
    # return loss / count (0 if count == 0, matching the loss*0 branch)
    B = output.shape[0]
    rows = rdepth[:, :, 0].astype(jnp.int32)
    cols = rdepth[:, :, 1].astype(jnp.int32)
    depth = rdepth[:, :, 2]
    mask = (depth > 0).astype(output.dtype)
    b_idx = jnp.arange(B)[:, None]
    gathered = output[b_idx, 0, rows, cols]
    loss_sum = jnp.sum(jnp.abs(gathered - depth) * mask)
    count = jnp.sum(mask)
    loss = jnp.where(count > 0, loss_sum / jnp.maximum(count, 1.0), jnp.zeros((), output.dtype))
    return loss

if __name__ == "__main__":
    import jax
    _d = setup_inputs()
    print(jax.jit(kernel)(*tuple(_d.values())))

</pallas_src>

<mosaic_0001>
#map = affine_map<(d0, d1) -> (0, 0, 0, 0)>
#map1 = affine_map<(d0, d1) -> (0, 0, 0)>
module attributes {stable_mosaic.version = 14 : i64} {
  func.func @_depth_loss_kernel(%arg0: i32, %arg1: i32, %arg2: memref<16x1x384x384xf32, #tpu.memory_space<hbm>>, %arg3: memref<3x16x512xf32, #tpu.memory_space<hbm>>, %arg4: memref<2x16x16xf32, #tpu.memory_space<hbm>>, %arg5: memref<3x512xf32, #tpu.memory_space<vmem>>, %arg6: memref<192x384xf32, #tpu.memory_space<vmem>>, %arg7: memref<16xf32, #tpu.memory_space<vmem>>, %arg8: memref<!tpu.dma_semaphore, #tpu.memory_space<semaphore_mem>>) attributes {dimension_semantics = [#tpu.dimension_semantics<core_parallel>, #tpu.dimension_semantics<subcore_parallel>], iteration_bounds = array<i64: 2, 16>, scalar_prefetch = 0 : i64, scratch_operands = 4 : i64, tpu.core_type = #tpu.core_type<sc_vector_subcore>, window_params = [{transform_indices = #map}, {transform_indices = #map1}, {transform_indices = #map1}]} {
    %mul3A = arith.constant 192 : i32
    %mul3A_0 = arith.muli %arg0, %mul3A : i32
    %mul3A_1 = arith.constant 384 : i32
    %mul3A_2 = arith.muli %arg1, %mul3A_1 : i32
    %add3A = arith.addi %mul3A_2, %mul3A_0 : i32
    %dma_start3A = tpu.memref_reshape %arg2 : memref<16x1x384x384xf32, #tpu.memory_space<hbm>> -> memref<6144x384xf32, #tpu.memory_space<hbm>>
    %dma_start3A_3 = arith.constant 0 : i32
    %dma_start3A_4 = tpu.memref_slice %dma_start3A[%add3A, %dma_start3A_3] : memref<6144x384xf32, #tpu.memory_space<hbm>> -> memref<192x384xf32, #tpu.memory_space<hbm>>
    %dma_start3A_5 = tpu.memref_reshape %arg2 : memref<16x1x384x384xf32, #tpu.memory_space<hbm>> -> memref<6144x384xf32, #tpu.memory_space<hbm>>
    %dma_start3A_6 = arith.constant 0 : i32
    %dma_start3A_7 = tpu.memref_slice %dma_start3A_5[%add3A, %dma_start3A_6] : memref<6144x384xf32, #tpu.memory_space<hbm>> -> memref<192x384xf32, #tpu.memory_space<hbm>>
    tpu.enqueue_dma source(%dma_start3A_7 : memref<192x384xf32, #tpu.memory_space<hbm>>) target(%arg6 : memref<192x384xf32, #tpu.memory_space<vmem>>) target_semaphore(%arg8 : memref<!tpu.dma_semaphore, #tpu.memory_space<semaphore_mem>>)
    %dma_start3A_8 = arith.constant 0 : i32
    %dma_start3A_9 = arith.constant 0 : i32
    %dma_start3A_10 = tpu.memref_slice %arg3[%dma_start3A_8, %arg1, %dma_start3A_9] : memref<3x16x512xf32, #tpu.memory_space<hbm>> -> memref<3x1x512xf32, #tpu.memory_space<hbm>>
    %dma_start3A_11 = tpu.memref_squeeze %dma_start3A_10 : memref<3x1x512xf32, #tpu.memory_space<hbm>> -> memref<3x512xf32, #tpu.memory_space<hbm>>
    %dma_start3A_12 = arith.constant 0 : i32
    %dma_start3A_13 = arith.constant 0 : i32
    %dma_start3A_14 = tpu.memref_slice %arg3[%dma_start3A_12, %arg1, %dma_start3A_13] : memref<3x16x512xf32, #tpu.memory_space<hbm>> -> memref<3x1x512xf32, #tpu.memory_space<hbm>>
    %dma_start3A_15 = tpu.memref_squeeze %dma_start3A_14 : memref<3x1x512xf32, #tpu.memory_space<hbm>> -> memref<3x512xf32, #tpu.memory_space<hbm>>
    tpu.enqueue_dma source(%dma_start3A_15 : memref<3x512xf32, #tpu.memory_space<hbm>>) target(%arg5 : memref<3x512xf32, #tpu.memory_space<vmem>>) target_semaphore(%arg8 : memref<!tpu.dma_semaphore, #tpu.memory_space<semaphore_mem>>)
    %dma_wait3A = tpu.memref_reshape %arg2 : memref<16x1x384x384xf32, #tpu.memory_space<hbm>> -> memref<6144x384xf32, #tpu.memory_space<hbm>>
    %dma_wait3A_16 = arith.constant 0 : i32
    %dma_wait3A_17 = tpu.memref_slice %dma_wait3A[%add3A, %dma_wait3A_16] : memref<6144x384xf32, #tpu.memory_space<hbm>> -> memref<192x384xf32, #tpu.memory_space<hbm>>
    %dma_wait3A_18 = tpu.memref_reshape %arg2 : memref<16x1x384x384xf32, #tpu.memory_space<hbm>> -> memref<6144x384xf32, #tpu.memory_space<hbm>>
    %dma_wait3A_19 = arith.constant 0 : i32
    %dma_wait3A_20 = tpu.memref_slice %dma_wait3A_18[%add3A, %dma_wait3A_19] : memref<6144x384xf32, #tpu.memory_space<hbm>> -> memref<192x384xf32, #tpu.memory_space<hbm>>
    tpu.wait_dma2 semaphore(%arg8 : memref<!tpu.dma_semaphore, #tpu.memory_space<semaphore_mem>>) src(%dma_wait3A_20 : memref<192x384xf32, #tpu.memory_space<hbm>>) dst(%arg6 : memref<192x384xf32, #tpu.memory_space<vmem>>)
    %dma_wait3A_21 = arith.constant 0 : i32
    %dma_wait3A_22 = arith.constant 0 : i32
    %dma_wait3A_23 = tpu.memref_slice %arg3[%dma_wait3A_21, %arg1, %dma_wait3A_22] : memref<3x16x512xf32, #tpu.memory_space<hbm>> -> memref<3x1x512xf32, #tpu.memory_space<hbm>>
    %dma_wait3A_24 = tpu.memref_squeeze %dma_wait3A_23 : memref<3x1x512xf32, #tpu.memory_space<hbm>> -> memref<3x512xf32, #tpu.memory_space<hbm>>
    %dma_wait3A_25 = arith.constant 0 : i32
    %dma_wait3A_26 = arith.constant 0 : i32
    %dma_wait3A_27 = tpu.memref_slice %arg3[%dma_wait3A_25, %arg1, %dma_wait3A_26] : memref<3x16x512xf32, #tpu.memory_space<hbm>> -> memref<3x1x512xf32, #tpu.memory_space<hbm>>
    %dma_wait3A_28 = tpu.memref_squeeze %dma_wait3A_27 : memref<3x1x512xf32, #tpu.memory_space<hbm>> -> memref<3x512xf32, #tpu.memory_space<hbm>>
    tpu.wait_dma2 semaphore(%arg8 : memref<!tpu.dma_semaphore, #tpu.memory_space<semaphore_mem>>) src(%dma_wait3A_28 : memref<3x512xf32, #tpu.memory_space<hbm>>) dst(%arg5 : memref<3x512xf32, #tpu.memory_space<vmem>>)
    %broadcast_in_dim3A = arith.constant 0.000000e+00 : f32
    %broadcast_in_dim3A_29 = vector.broadcast %broadcast_in_dim3A : f32 to vector<16xf32>
    %broadcast_in_dim3A_30 = arith.constant 0.000000e+00 : f32
    %broadcast_in_dim3A_31 = vector.broadcast %broadcast_in_dim3A_30 : f32 to vector<16xf32>
    %scan3A = arith.constant 0 : i32
    %scan3A_32 = arith.constant 8 : i32
    %scan3A_33 = arith.addi %scan3A, %scan3A_32 : i32
    %scan3A_34 = arith.constant 1 : i32
    %scan3A_35:2 = scf.for %scan3A_54 = %scan3A to %scan3A_33 step %scan3A_34 iter_args(%scan3A_55 = %broadcast_in_dim3A_29, %scan3A_56 = %broadcast_in_dim3A_31) -> (vector<16xf32>, vector<16xf32>)  : i32 {
      %mul3A_57 = arith.constant 4 : i32
      %mul3A_58 = arith.muli %scan3A_54, %mul3A_57 : i32
      %add3A_59 = arith.constant 0 : i32
      %add3A_60 = arith.addi %mul3A_58, %add3A_59 : i32
      %mul3A_61 = arith.constant 16 : i32
      %mul3A_62 = arith.muli %add3A_60, %mul3A_61 : i32
      %get3A = arith.constant 0 : i32
      %get3A_63 = arith.index_cast %get3A : i32 to index
      %get3A_64 = arith.index_cast %mul3A_62 : i32 to index
      %get3A_65 = tpu.vector_load %arg5[%get3A_63, %get3A_64] {strides = array<i32>} : memref<3x512xf32, #tpu.memory_space<vmem>>, vector<16xf32>,
      %convert_element_type3A = arith.fptosi %get3A_65 : vector<16xf32> to vector<16xi32>
      %get3A_66 = arith.constant 1 : i32
      %get3A_67 = arith.index_cast %get3A_66 : i32 to index
      %get3A_68 = arith.index_cast %mul3A_62 : i32 to index
      %get3A_69 = tpu.vector_load %arg5[%get3A_67, %get3A_68] {strides = array<i32>} : memref<3x512xf32, #tpu.memory_space<vmem>>, vector<16xf32>,
      %convert_element_type3A_70 = arith.fptosi %get3A_69 : vector<16xf32> to vector<16xi32>
      %get3A_71 = arith.constant 2 : i32
      %get3A_72 = arith.index_cast %get3A_71 : i32 to index
      %get3A_73 = arith.index_cast %mul3A_62 : i32 to index
      %get3A_74 = tpu.vector_load %arg5[%get3A_72, %get3A_73] {strides = array<i32>} : memref<3x512xf32, #tpu.memory_space<vmem>>, vector<16xf32>,
      %sub3A = vector.broadcast %mul3A_0 : i32 to vector<16xi32>
      %sub3A_75 = arith.subi %convert_element_type3A, %sub3A : vector<16xi32>
      %ge3A = arith.constant 0 : i32
      %ge3A_76 = vector.broadcast %ge3A : i32 to vector<16xi32>
      %ge3A_77 = arith.cmpi sge, %sub3A_75, %ge3A_76 : vector<16xi32>
      %lt3A = arith.constant 192 : i32
      %lt3A_78 = vector.broadcast %lt3A : i32 to vector<16xi32>
      %lt3A_79 = arith.cmpi slt, %sub3A_75, %lt3A_78 : vector<16xi32>
      %and3A = arith.andi %ge3A_77, %lt3A_79 : vector<16xi1>
      %gt3A = arith.constant 0.000000e+00 : f32
      %gt3A_80 = vector.broadcast %gt3A : f32 to vector<16xf32>
      %gt3A_81 = arith.cmpf ogt, %get3A_74, %gt3A_80 : vector<16xf32>
      %and3A_82 = arith.andi %and3A, %gt3A_81 : vector<16xi1>
      %jit3A_83 = arith.constant 0 : i32
      %broadcast_in_dim3A_84 = vector.broadcast %jit3A_83 : i32 to vector<16xi32>
      %select_n3A_85 = arith.select %and3A, %sub3A_75, %broadcast_in_dim3A_84 : vector<16xi1>, vector<16xi32>
      %gather3A = tpu.vector_load_idx %arg6[%select_n3A_85, %convert_element_type3A_70] : memref<192x384xf32, #tpu.memory_space<vmem>>[vector<16xi32>, vector<16xi32>], vector<16xf32>,
      %sub3A_86 = arith.subf %gather3A, %get3A_74 : vector<16xf32>
      %abs3A = math.absf %sub3A_86 : vector<16xf32>
      %jit3A_87 = arith.constant 0.000000e+00 : f32
      %broadcast_in_dim3A_88 = vector.broadcast %jit3A_87 : f32 to vector<16xf32>
      %select_n3A_89 = arith.select %and3A_82, %abs3A, %broadcast_in_dim3A_88 : vector<16xi1>, vector<16xf32>
      %add3A_90 = arith.addf %scan3A_55, %select_n3A_89 : vector<16xf32>
      %jit3A_91 = arith.constant 1.000000e+00 : f32
      %jit3A_92 = arith.constant 0.000000e+00 : f32
      %broadcast_in_dim3A_93 = vector.broadcast %jit3A_91 : f32 to vector<16xf32>
      %broadcast_in_dim3A_94 = vector.broadcast %jit3A_92 : f32 to vector<16xf32>
      %select_n3A_95 = arith.select %and3A_82, %broadcast_in_dim3A_93, %broadcast_in_dim3A_94 : vector<16xi1>, vector<16xf32>
      %add3A_96 = arith.addf %scan3A_56, %select_n3A_95 : vector<16xf32>
      %mul3A_97 = arith.constant 4 : i32
      %mul3A_98 = arith.muli %scan3A_54, %mul3A_97 : i32
      %add3A_99 = arith.constant 1 : i32
      %add3A_100 = arith.addi %mul3A_98, %add3A_99 : i32
      %mul3A_101 = arith.constant 16 : i32
      %mul3A_102 = arith.muli %add3A_100, %mul3A_101 : i32
      %get3A_103 = arith.constant 0 : i32
      %get3A_104 = arith.index_cast %get3A_103 : i32 to index
      %get3A_105 = arith.index_cast %mul3A_102 : i32 to index
      %get3A_106 = tpu.vector_load %arg5[%get3A_104, %get3A_105] {strides = array<i32>} : memref<3x512xf32, #tpu.memory_space<vmem>>, vector<16xf32>,
      %convert_element_type3A_107 = arith.fptosi %get3A_106 : vector<16xf32> to vector<16xi32>
      %get3A_108 = arith.constant 1 : i32
      %get3A_109 = arith.index_cast %get3A_108 : i32 to index
      %get3A_110 = arith.index_cast %mul3A_102 : i32 to index
      %get3A_111 = tpu.vector_load %arg5[%get3A_109, %get3A_110] {strides = array<i32>} : memref<3x512xf32, #tpu.memory_space<vmem>>, vector<16xf32>,
      %convert_element_type3A_112 = arith.fptosi %get3A_111 : vector<16xf32> to vector<16xi32>
      %get3A_113 = arith.constant 2 : i32
      %get3A_114 = arith.index_cast %get3A_113 : i32 to index
      %get3A_115 = arith.index_cast %mul3A_102 : i32 to index
      %get3A_116 = tpu.vector_load %arg5[%get3A_114, %get3A_115] {strides = array<i32>} : memref<3x512xf32, #tpu.memory_space<vmem>>, vector<16xf32>,
      %sub3A_117 = vector.broadcast %mul3A_0 : i32 to vector<16xi32>
      %sub3A_118 = arith.subi %convert_element_type3A_107, %sub3A_117 : vector<16xi32>
      %ge3A_119 = arith.constant 0 : i32
      %ge3A_120 = vector.broadcast %ge3A_119 : i32 to vector<16xi32>
      %ge3A_121 = arith.cmpi sge, %sub3A_118, %ge3A_120 : vector<16xi32>
      %lt3A_122 = arith.constant 192 : i32
      %lt3A_123 = vector.broadcast %lt3A_122 : i32 to vector<16xi32>
      %lt3A_124 = arith.cmpi slt, %sub3A_118, %lt3A_123 : vector<16xi32>
      %and3A_125 = arith.andi %ge3A_121, %lt3A_124 : vector<16xi1>
      %gt3A_126 = arith.constant 0.000000e+00 : f32
      %gt3A_127 = vector.broadcast %gt3A_126 : f32 to vector<16xf32>
      %gt3A_128 = arith.cmpf ogt, %get3A_116, %gt3A_127 : vector<16xf32>
      %and3A_129 = arith.andi %and3A_125, %gt3A_128 : vector<16xi1>
      %jit3A_130 = arith.constant 0 : i32
      %broadcast_in_dim3A_131 = vector.broadcast %jit3A_130 : i32 to vector<16xi32>
      %select_n3A_132 = arith.select %and3A_125, %sub3A_118, %broadcast_in_dim3A_131 : vector<16xi1>, vector<16xi32>
      %gather3A_133 = tpu.vector_load_idx %arg6[%select_n3A_132, %convert_element_type3A_112] : memref<192x384xf32, #tpu.memory_space<vmem>>[vector<16xi32>, vector<16xi32>], vector<16xf32>,
      %sub3A_134 = arith.subf %gather3A_133, %get3A_116 : vector<16xf32>
      %abs3A_135 = math.absf %sub3A_134 : vector<16xf32>
      %jit3A_136 = arith.constant 0.000000e+00 : f32
      %broadcast_in_dim3A_137 = vector.broadcast %jit3A_136 : f32 to vector<16xf32>
      %select_n3A_138 = arith.select %and3A_129, %abs3A_135, %broadcast_in_dim3A_137 : vector<16xi1>, vector<16xf32>
      %add3A_139 = arith.addf %add3A_90, %select_n3A_138 : vector<16xf32>
      %jit3A_140 = arith.constant 1.000000e+00 : f32
      %jit3A_141 = arith.constant 0.000000e+00 : f32
      %broadcast_in_dim3A_142 = vector.broadcast %jit3A_140 : f32 to vector<16xf32>
      %broadcast_in_dim3A_143 = vector.broadcast %jit3A_141 : f32 to vector<16xf32>
      %select_n3A_144 = arith.select %and3A_129, %broadcast_in_dim3A_142, %broadcast_in_dim3A_143 : vector<16xi1>, vector<16xf32>
      %add3A_145 = arith.addf %add3A_96, %select_n3A_144 : vector<16xf32>
      %mul3A_146 = arith.constant 4 : i32
      %mul3A_147 = arith.muli %scan3A_54, %mul3A_146 : i32
      %add3A_148 = arith.constant 2 : i32
      %add3A_149 = arith.addi %mul3A_147, %add3A_148 : i32
      %mul3A_150 = arith.constant 16 : i32
      %mul3A_151 = arith.muli %add3A_149, %mul3A_150 : i32
      %get3A_152 = arith.constant 0 : i32
      %get3A_153 = arith.index_cast %get3A_152 : i32 to index
      %get3A_154 = arith.index_cast %mul3A_151 : i32 to index
      %get3A_155 = tpu.vector_load %arg5[%get3A_153, %get3A_154] {strides = array<i32>} : memref<3x512xf32, #tpu.memory_space<vmem>>, vector<16xf32>,
      %convert_element_type3A_156 = arith.fptosi %get3A_155 : vector<16xf32> to vector<16xi32>
      %get3A_157 = arith.constant 1 : i32
      %get3A_158 = arith.index_cast %get3A_157 : i32 to index
      %get3A_159 = arith.index_cast %mul3A_151 : i32 to index
      %get3A_160 = tpu.vector_load %arg5[%get3A_158, %get3A_159] {strides = array<i32>} : memref<3x512xf32, #tpu.memory_space<vmem>>, vector<16xf32>,
      %convert_element_type3A_161 = arith.fptosi %get3A_160 : vector<16xf32> to vector<16xi32>
      %get3A_162 = arith.constant 2 : i32
      %get3A_163 = arith.index_cast %get3A_162 : i32 to index
      %get3A_164 = arith.index_cast %mul3A_151 : i32 to index
      %get3A_165 = tpu.vector_load %arg5[%get3A_163, %get3A_164] {strides = array<i32>} : memref<3x512xf32, #tpu.memory_space<vmem>>, vector<16xf32>,
      %sub3A_166 = vector.broadcast %mul3A_0 : i32 to vector<16xi32>
      %sub3A_167 = arith.subi %convert_element_type3A_156, %sub3A_166 : vector<16xi32>
      %ge3A_168 = arith.constant 0 : i32
      %ge3A_169 = vector.broadcast %ge3A_168 : i32 to vector<16xi32>
      %ge3A_170 = arith.cmpi sge, %sub3A_167, %ge3A_169 : vector<16xi32>
      %lt3A_171 = arith.constant 192 : i32
      %lt3A_172 = vector.broadcast %lt3A_171 : i32 to vector<16xi32>
      %lt3A_173 = arith.cmpi slt, %sub3A_167, %lt3A_172 : vector<16xi32>
      %and3A_174 = arith.andi %ge3A_170, %lt3A_173 : vector<16xi1>
      %gt3A_175 = arith.constant 0.000000e+00 : f32
      %gt3A_176 = vector.broadcast %gt3A_175 : f32 to vector<16xf32>
      %gt3A_177 = arith.cmpf ogt, %get3A_165, %gt3A_176 : vector<16xf32>
      %and3A_178 = arith.andi %and3A_174, %gt3A_177 : vector<16xi1>
      %jit3A_179 = arith.constant 0 : i32
      %broadcast_in_dim3A_180 = vector.broadcast %jit3A_179 : i32 to vector<16xi32>
      %select_n3A_181 = arith.select %and3A_174, %sub3A_167, %broadcast_in_dim3A_180 : vector<16xi1>, vector<16xi32>
      %gather3A_182 = tpu.vector_load_idx %arg6[%select_n3A_181, %convert_element_type3A_161] : memref<192x384xf32, #tpu.memory_space<vmem>>[vector<16xi32>, vector<16xi32>], vector<16xf32>,
      %sub3A_183 = arith.subf %gather3A_182, %get3A_165 : vector<16xf32>
      %abs3A_184 = math.absf %sub3A_183 : vector<16xf32>
      %jit3A_185 = arith.constant 0.000000e+00 : f32
      %broadcast_in_dim3A_186 = vector.broadcast %jit3A_185 : f32 to vector<16xf32>
      %select_n3A_187 = arith.select %and3A_178, %abs3A_184, %broadcast_in_dim3A_186 : vector<16xi1>, vector<16xf32>
      %add3A_188 = arith.addf %add3A_139, %select_n3A_187 : vector<16xf32>
      %jit3A_189 = arith.constant 1.000000e+00 : f32
      %jit3A_190 = arith.constant 0.000000e+00 : f32
      %broadcast_in_dim3A_191 = vector.broadcast %jit3A_189 : f32 to vector<16xf32>
      %broadcast_in_dim3A_192 = vector.broadcast %jit3A_190 : f32 to vector<16xf32>
      %select_n3A_193 = arith.select %and3A_178, %broadcast_in_dim3A_191, %broadcast_in_dim3A_192 : vector<16xi1>, vector<16xf32>
      %add3A_194 = arith.addf %add3A_145, %select_n3A_193 : vector<16xf32>
      %mul3A_195 = arith.constant 4 : i32
      %mul3A_196 = arith.muli %scan3A_54, %mul3A_195 : i32
      %add3A_197 = arith.constant 3 : i32
      %add3A_198 = arith.addi %mul3A_196, %add3A_197 : i32
      %mul3A_199 = arith.constant 16 : i32
      %mul3A_200 = arith.muli %add3A_198, %mul3A_199 : i32
      %get3A_201 = arith.constant 0 : i32
      %get3A_202 = arith.index_cast %get3A_201 : i32 to index
      %get3A_203 = arith.index_cast %mul3A_200 : i32 to index
      %get3A_204 = tpu.vector_load %arg5[%get3A_202, %get3A_203] {strides = array<i32>} : memref<3x512xf32, #tpu.memory_space<vmem>>, vector<16xf32>,
      %convert_element_type3A_205 = arith.fptosi %get3A_204 : vector<16xf32> to vector<16xi32>
      %get3A_206 = arith.constant 1 : i32
      %get3A_207 = arith.index_cast %get3A_206 : i32 to index
      %get3A_208 = arith.index_cast %mul3A_200 : i32 to index
      %get3A_209 = tpu.vector_load %arg5[%get3A_207, %get3A_208] {strides = array<i32>} : memref<3x512xf32, #tpu.memory_space<vmem>>, vector<16xf32>,
      %convert_element_type3A_210 = arith.fptosi %get3A_209 : vector<16xf32> to vector<16xi32>
      %get3A_211 = arith.constant 2 : i32
      %get3A_212 = arith.index_cast %get3A_211 : i32 to index
      %get3A_213 = arith.index_cast %mul3A_200 : i32 to index
      %get3A_214 = tpu.vector_load %arg5[%get3A_212, %get3A_213] {strides = array<i32>} : memref<3x512xf32, #tpu.memory_space<vmem>>, vector<16xf32>,
      %sub3A_215 = vector.broadcast %mul3A_0 : i32 to vector<16xi32>
      %sub3A_216 = arith.subi %convert_element_type3A_205, %sub3A_215 : vector<16xi32>
      %ge3A_217 = arith.constant 0 : i32
      %ge3A_218 = vector.broadcast %ge3A_217 : i32 to vector<16xi32>
      %ge3A_219 = arith.cmpi sge, %sub3A_216, %ge3A_218 : vector<16xi32>
      %lt3A_220 = arith.constant 192 : i32
      %lt3A_221 = vector.broadcast %lt3A_220 : i32 to vector<16xi32>
      %lt3A_222 = arith.cmpi slt, %sub3A_216, %lt3A_221 : vector<16xi32>
      %and3A_223 = arith.andi %ge3A_219, %lt3A_222 : vector<16xi1>
      %gt3A_224 = arith.constant 0.000000e+00 : f32
      %gt3A_225 = vector.broadcast %gt3A_224 : f32 to vector<16xf32>
      %gt3A_226 = arith.cmpf ogt, %get3A_214, %gt3A_225 : vector<16xf32>
      %and3A_227 = arith.andi %and3A_223, %gt3A_226 : vector<16xi1>
      %jit3A_228 = arith.constant 0 : i32
      %broadcast_in_dim3A_229 = vector.broadcast %jit3A_228 : i32 to vector<16xi32>
      %select_n3A_230 = arith.select %and3A_223, %sub3A_216, %broadcast_in_dim3A_229 : vector<16xi1>, vector<16xi32>
      %gather3A_231 = tpu.vector_load_idx %arg6[%select_n3A_230, %convert_element_type3A_210] : memref<192x384xf32, #tpu.memory_space<vmem>>[vector<16xi32>, vector<16xi32>], vector<16xf32>,
      %sub3A_232 = arith.subf %gather3A_231, %get3A_214 : vector<16xf32>
      %abs3A_233 = math.absf %sub3A_232 : vector<16xf32>
      %jit3A_234 = arith.constant 0.000000e+00 : f32
      %broadcast_in_dim3A_235 = vector.broadcast %jit3A_234 : f32 to vector<16xf32>
      %select_n3A_236 = arith.select %and3A_227, %abs3A_233, %broadcast_in_dim3A_235 : vector<16xi1>, vector<16xf32>
      %add3A_237 = arith.addf %add3A_188, %select_n3A_236 : vector<16xf32>
      %jit3A_238 = arith.constant 1.000000e+00 : f32
      %jit3A_239 = arith.constant 0.000000e+00 : f32
      %broadcast_in_dim3A_240 = vector.broadcast %jit3A_238 : f32 to vector<16xf32>
      %broadcast_in_dim3A_241 = vector.broadcast %jit3A_239 : f32 to vector<16xf32>
      %select_n3A_242 = arith.select %and3A_227, %broadcast_in_dim3A_240, %broadcast_in_dim3A_241 : vector<16xi1>, vector<16xf32>
      %add3A_243 = arith.addf %add3A_194, %select_n3A_242 : vector<16xf32>
      scf.yield %add3A_237, %add3A_243 : vector<16xf32>, vector<16xf32>
    }
    %scan3A_36 = arith.constant 8 : i32
    %iota3A = tpu.iota {dimensions = array<i32: 0>} : vector<16xi32>
    %reduce_sum3A = arith.constant true
    %reduce_sum3A_37 = vector.broadcast %reduce_sum3A : i1 to vector<16xi1>
    %reduce_sum3A_38 = tpu.scan <sum>, %scan3A_35#0 masked %reduce_sum3A_37 : vector<16xf32>, vector<16xi1> -> vector<16xf32>
    %reduce_sum3A_39 = vector.extract %reduce_sum3A_38[15] : f32 from vector<16xf32>
    %broadcast_in_dim3A_40 = vector.broadcast %reduce_sum3A_39 : f32 to vector<16xf32>
    %reduce_sum3A_41 = arith.constant true
    %reduce_sum3A_42 = vector.broadcast %reduce_sum3A_41 : i1 to vector<16xi1>
    %reduce_sum3A_43 = tpu.scan <sum>, %scan3A_35#1 masked %reduce_sum3A_42 : vector<16xf32>, vector<16xi1> -> vector<16xf32>
    %reduce_sum3A_44 = vector.extract %reduce_sum3A_43[15] : f32 from vector<16xf32>
    %broadcast_in_dim3A_45 = vector.broadcast %reduce_sum3A_44 : f32 to vector<16xf32>
    %eq3A = arith.constant 0 : i32
    %eq3A_46 = vector.broadcast %eq3A : i32 to vector<16xi32>
    %eq3A_47 = arith.cmpi eq, %iota3A, %eq3A_46 : vector<16xi32>
    %eq3A_48 = arith.constant 1 : i32
    %eq3A_49 = vector.broadcast %eq3A_48 : i32 to vector<16xi32>
    %eq3A_50 = arith.cmpi eq, %iota3A, %eq3A_49 : vector<16xi32>
    %jit3A = arith.constant 0.000000e+00 : f32
    %broadcast_in_dim3A_51 = vector.broadcast %jit3A : f32 to vector<16xf32>
    %select_n3A = arith.select %eq3A_50, %broadcast_in_dim3A_45, %broadcast_in_dim3A_51 : vector<16xi1>, vector<16xf32>
    %select_n3A_52 = arith.select %eq3A_47, %broadcast_in_dim3A_40, %select_n3A : vector<16xi1>, vector<16xf32>
    %swap3A = arith.constant 0 : index
    %swap3A_53 = tpu.vector_load %arg7[%swap3A] {strides = array<i32>} : memref<16xf32, #tpu.memory_space<vmem>>, vector<16xf32>,
    tpu.vector_store %arg7[%swap3A], %select_n3A_52 {strides = array<i32>} : memref<16xf32, #tpu.memory_space<vmem>>, vector<16xf32>,
    "tpu.region"() ({
      %run_scoped3A = tpu.sem_alloc : memref<!tpu.dma_semaphore, #tpu.memory_space<semaphore_mem>>
      %dma_start3A_54 = arith.constant 0 : i32
      %dma_start3A_55 = tpu.memref_slice %arg4[%arg0, %arg1, %dma_start3A_54] : memref<2x16x16xf32, #tpu.memory_space<hbm>> -> memref<1x1x16xf32, #tpu.memory_space<hbm>>
      %dma_start3A_56 = tpu.memref_squeeze %dma_start3A_55 : memref<1x1x16xf32, #tpu.memory_space<hbm>> -> memref<16xf32, #tpu.memory_space<hbm>>
      %dma_start3A_57 = arith.constant 0 : i32
      %dma_start3A_58 = tpu.memref_slice %arg4[%arg0, %arg1, %dma_start3A_57] : memref<2x16x16xf32, #tpu.memory_space<hbm>> -> memref<1x1x16xf32, #tpu.memory_space<hbm>>
      %dma_start3A_59 = tpu.memref_squeeze %dma_start3A_58 : memref<1x1x16xf32, #tpu.memory_space<hbm>> -> memref<16xf32, #tpu.memory_space<hbm>>
      tpu.enqueue_dma source(%arg7 : memref<16xf32, #tpu.memory_space<vmem>>) target(%dma_start3A_59 : memref<16xf32, #tpu.memory_space<hbm>>) target_semaphore(%run_scoped3A : memref<!tpu.dma_semaphore, #tpu.memory_space<semaphore_mem>>)
      %dma_wait3A_60 = arith.constant 0 : i32
      %dma_wait3A_61 = tpu.memref_slice %arg4[%arg0, %arg1, %dma_wait3A_60] : memref<2x16x16xf32, #tpu.memory_space<hbm>> -> memref<1x1x16xf32, #tpu.memory_space<hbm>>
      %dma_wait3A_62 = tpu.memref_squeeze %dma_wait3A_61 : memref<1x1x16xf32, #tpu.memory_space<hbm>> -> memref<16xf32, #tpu.memory_space<hbm>>
      %dma_wait3A_63 = arith.constant 0 : i32
      %dma_wait3A_64 = tpu.memref_slice %arg4[%arg0, %arg1, %dma_wait3A_63] : memref<2x16x16xf32, #tpu.memory_space<hbm>> -> memref<1x1x16xf32, #tpu.memory_space<hbm>>
      %dma_wait3A_65 = tpu.memref_squeeze %dma_wait3A_64 : memref<1x1x16xf32, #tpu.memory_space<hbm>> -> memref<16xf32, #tpu.memory_space<hbm>>
      tpu.wait_dma2 semaphore(%run_scoped3A : memref<!tpu.dma_semaphore, #tpu.memory_space<semaphore_mem>>) src(%arg7 : memref<16xf32, #tpu.memory_space<vmem>>) dst(%dma_wait3A_65 : memref<16xf32, #tpu.memory_space<hbm>>)
      tpu.yield
    }) : () -> ()
    return
  }
}

</mosaic_0001>

<sc_bundles>
// kernel: kernel.3.cloned.1.call-start
scs
__scs_entry_jumppad:
0x0: {  	(pc) =	sbr.rel $0x88, $3  }
0x1: {  	(tag) =	ssettag $0x0;
	lr =	simm.s32 $0x1  }
0x2: {  	[smem:$0x3F9F] =	sst lr;
	_ =	strace $0xD0000000  }
0x3: {  	_ = 	snop  }
0x4: {  	_ = 	snop  }
0x5: {  	_ = 	snop  }
0x6: {  	_ = 	snop  }
0x7: {  	_ = 	snop  }
__scs_overlays_trampoline_lowered:
0x8: {  	[smem:$0x3FAE] =	sst s0  }
0x9: {  	[smem:$0x3FAF] =	sst s1  }
0xa: {  	[smem:$0x3FB0] =	sst s2  }
0xb: {  	[smem:$0x3FB1] =	sst s3  }
0xc: {  	[smem:$0x3FB2] =	sst s4  }
0xd: {  	[smem:$0x3FB3] =	sst s5  }
0xe: {  	[smem:$0x3FB4] =	sst s6  }
0xf: {  	[smem:$0x3FB5] =	sst s7  }
0x10: {  	[smem:$0x3FB6] =	sst s8  }
0x11: {  	[smem:$0x3FB7] =	sst s9;
	s0 =	simm.s32 @!p0 $0x0  }
0x12: {  	s1 =	sld [smem:$0x3F9D];
	s0 =	simm.s32 @p0 $0x1  }
0x13: {  	[smem:$0x3FB8] =	sst s0;
	s0 =	simm.s32 @!p1 $0x0  }
0x14: {  	s2 =	sld [smem:$0x3F9C];
	s0 =	simm.s32 @p1 $0x1  }
0x15: {  	[smem:$0x3FB9] =	sst s0;
	s0 =	simm.s32 @!p2 $0x0  }
0x16: {  	s3 =	sld [smem:$0x3FDB];
	s0 =	simm.s32 @p2 $0x1  }
0x17: {  	s4 =	simm.s32 $0x1BF5;
	[smem:$0x3FBB] =	sst s0  }
0x18: {  	s0 =	sld [smem:$0x3F9E];
	_ =	swait.ge [sflag:s4], $0x0  }
0x19: {  	s7 =	sld [smem:$0x3F9F]  }
0x1a: {  	s8 =	sadd.s32 $0xFFFFE003, lr  }
0x1b: {  	s9 =	sadd.s32 $0xFFFFFEF7, lr;
	s5 =	simm.s32 $0xFFFFFFFF;
	p2 =	slt.u32 s8, $0xFFFFF086  }
0x1c: {  	p1 =	slt.u32 s9, $0xF7A;
	s5 =	simm.s32 @!p2 $0x0  }
0x1d: {  	s5 =	simm.s32 @p1 $0x1;
	p0 =	seq.s32 s7, s2  }
0x1e: {  	s7 =	smul.u32 @!p0 $0xF7A, s2;
	p2 =	seq.s32 @!p0 s5, $0x0  }
0x1f: {  	s9 =	smul.u32 $0xF7A, s1;
	s8 =	simm.s32 @!p0 $0x1BF5;
	p2 =	por !p2, p0  }
0x20: {  	[sflag:s8] =	ssyncset.s32 @!p0 $0xFFFFF086;
	s6 =	sadd.s32 @!p0 s3, s7;
	s7 =	simm.s32 @!p0 $0x108  }
0x21: {  	s3 =	sadd.s32 s3, s9;
	s6 =	sadd.s32 @!p0 $0x88, s6;
	s7 =	simm.s32 @p2 $0x1082  }
0x22: {  	[simem:s7], [sflag:s8] =	dma.local @!p0 [hbm:s6], $0xF7A  }
0x23: {  	s9 =	sor.u32 $0xD0000000, s2;
	s6 =	simm.s32 $0x108;
	_ =	swait.ge @!p0 [sflag:s8], $0x0  }
0x24: {  	s3 =	sadd.s32 $0x88, s3;
	s6 =	simm.s32 @!p1 $0x1082;
	[sflag:s4] =	ssyncset.s32 $0xFFFFF086  }
0x25: {  	[simem:s6], [sflag:s4] =	dma.local [hbm:s3], $0xF7A  }
0x26: {  	[smem:$0x3F9F] =	sst s1;
	(tag) =	ssettag s2;
	_ =	strace s9  }
0x27: {  	s1 =	sld [smem:$0x3FAF]  }
0x28: {  	s2 =	sld [smem:$0x3FB0]  }
0x29: {  	s4 =	sld [smem:$0x3FB2]  }
0x2a: {  	p0 =	seq.s32 s5, $0x0;
	s5 =	sld [smem:$0x3FB3]  }
0x2b: {  	s6 =	sld [smem:$0x3FB4]  }
0x2c: {  	s7 =	sld [smem:$0x3FB5]  }
0x2d: {  	s3 =	simm.s32 $0x108;
	s8 =	sld [smem:$0x3FB6]  }
0x2e: {  	s3 =	simm.s32 @!p0 $0x1082;
	s9 =	sld [smem:$0x3FB7]  }
0x2f: {  	lr =	sadd.s32 s0, s3;
	s0 =	sld [smem:$0x3FAE]  }
0x30: {  	s3 =	sld [smem:$0x3FB1]  }
0x31: {  	[smem:$0x3FBA] =	sst s10  }
0x32: {  	s10 =	sld [smem:$0x3FB8];
	_ =	sdelay $0x3  }
0x33: {  	p0 =	seq.s32 s10, $0x1;
	s10 =	sld [smem:$0x3FBA];
	_ =	sdelay $0x3  }
0x34: {  	[smem:$0x3FBA] =	sst s10  }
0x35: {  	s10 =	sld [smem:$0x3FB9];
	_ =	sdelay $0x3  }
0x36: {  	p1 =	seq.s32 s10, $0x1;
	s10 =	sld [smem:$0x3FBA];
	_ =	sdelay $0x3  }
0x37: {  	[smem:$0x3FBA] =	sst s10  }
0x38: {  	s10 =	sld [smem:$0x3FBB]  }
0x39: {  	_ = 	snop;
	(pc) =	sbr.ind lr, $3  }
0x3a: {  	_ = 	snop  }
0x3b: {  	_ = 	snop  }
0x3c: {  	p2 =	seq.s32 s10, $0x1;
	s10 =	sld [smem:$0x3FBA]  }
0x3d: {  	_ =	shalt  }
0x3e: {  	_ =	shalt  }
0x3f: {  	_ =	shalt  }
0x40: {  	_ =	shalt  }
0x41: {  	_ =	shalt  }
0x42: {  	_ =	shalt  }
0x43: {  	_ =	shalt  }
0x44: {  	_ =	shalt  }
0x45: {  	_ =	shalt  }
0x46: {  	_ =	shalt  }
0x47: {  	_ =	shalt  }
0x48: {  	_ =	shalt  }
0x49: {  	_ =	shalt  }
0x4a: {  	_ =	shalt  }
0x4b: {  	_ =	shalt  }
0x4c: {  	_ =	shalt  }
0x4d: {  	_ =	shalt  }
0x4e: {  	_ =	shalt  }
0x4f: {  	_ =	shalt  }
0x50: {  	_ =	shalt  }
0x51: {  	_ =	shalt  }
0x52: {  	_ =	shalt  }
0x53: {  	_ =	shalt  }
0x54: {  	_ =	shalt  }
0x55: {  	_ =	shalt  }
0x56: {  	_ =	shalt  }
0x57: {  	_ =	shalt  }
0x58: {  	_ =	shalt  }
0x59: {  	_ =	shalt  }
0x5a: {  	_ =	shalt  }
0x5b: {  	_ =	shalt  }
0x5c: {  	_ =	shalt  }
0x5d: {  	_ =	shalt  }
0x5e: {  	_ =	shalt  }
0x5f: {  	_ =	shalt  }
0x60: {  	_ =	shalt  }
0x61: {  	_ =	shalt  }
0x62: {  	_ =	shalt  }
0x63: {  	_ =	shalt  }
0x64: {  	_ =	shalt  }
0x65: {  	_ =	shalt  }
0x66: {  	_ =	shalt  }
0x67: {  	_ =	shalt  }
0x68: {  	_ =	shalt  }
0x69: {  	_ =	shalt  }
0x6a: {  	_ =	shalt  }
0x6b: {  	_ =	shalt  }
0x6c: {  	_ =	shalt  }
0x6d: {  	_ =	shalt  }
0x6e: {  	_ =	shalt  }
0x6f: {  	_ =	shalt  }
0x70: {  	_ =	shalt  }
0x71: {  	_ =	shalt  }
0x72: {  	_ =	shalt  }
0x73: {  	_ =	shalt  }
0x74: {  	_ =	shalt  }
0x75: {  	_ =	shalt  }
0x76: {  	_ =	shalt  }
0x77: {  	_ =	shalt  }
0x78: {  	_ =	shalt  }
0x79: {  	_ =	shalt  }
0x7a: {  	_ =	shalt  }
0x7b: {  	_ =	shalt  }
0x7c: {  	_ =	shalt  }
0x7d: {  	_ =	shalt  }
0x7e: {  	_ =	shalt  }
0x7f: {  	_ =	shalt  }
0x80: {  	_ =	shalt  }
0x81: {  	_ =	shalt  }
0x82: {  	_ =	shalt  }
0x83: {  	_ =	shalt  }
0x84: {  	_ =	shalt  }
0x85: {  	_ =	shalt  }
0x86: {  	_ =	shalt  }
0x87: {  	_ =	shalt  }
.Lfunc_end0:
.L_simem_size_0:
called_computation_lowered:
.L_overlay_start_0:
0x88: {  	s2 =	sld [smem:$0x3FD9]  }
0x89: {  	s3 =	sld [smem:$0x3FFE];
	_ =	sdelay $0x1  }
0x8a: {  	s1 =	srdreg.scid  }
0x8b: {  	s0 =	sand.u32 $0x1, s1  }
0x8c: {  	s17 =	sshll.u32 s0, $0xA;
	s2 =	sadd.s32 s3, s2  }
0x8d: {  	s2 =	sadd.s32 s2, s17  }
0x8e: {  	[smem:$0x3FC6] =	sst s2  }
0x8f: {  	_ = 	snop  }
0x90: {  	s2 =	sld [smem:$0x3FC9]  }
0x91: {  	s18 =	sld [smem:$0x3FC8];
	(tm) =	ssettm $0x1  }
0x92: {  	s4 =	sld [smem:$0x3FFB];
	_ =	sdelay $0x3  }
0x93: {  	_ =	strace s4  }
0x94: {  	s4 =	sld [smem:$0x3FFC];
	_ =	sdelay $0x3  }
0x95: {  	_ =	strace s4  }
0x96: {  	s4 =	sld [smem:$0x3FFD];
	_ =	sdelay $0x3  }
0x97: {  	_ =	strace s4  }
0x98: {  	_ =	strace $0x8FFFFFFF  }
0x99: {  	s19 =	sld [smem:$0x3FDB];
	_ =	sdelay $0x1  }
0x9a: {  	s5 =	simm.s32 $_scs_section_size  }
0x9b: {  	s6 =	simm.s32 $_size__tile_overlayer_lowered;
	s7 =	simm.s32 $_tile_overlayer_lowered  }
0x9c: {  	s22 =	simm.s32 $0x1BFF;
	s21 =	sshll.u32 s7, $0x1;
	s4 =	sadd.s32 s5, s19  }
0x9d: {  	s8 =	simm.s32 $0x0;
	s20 =	sshll.u32 s6, $0x1;
	s6 =	sadd.s32 s21, s4  }
0x9e: {  	[timem:s8], [sflag:s22] =	dma.local [hbm:s6], s20  }
0x9f: {  	_ =	swait.ge [sflag:s22], s20  }
0xa0: {  	s5 =	ssub.s32 $0x0, s20;
	[sflag:s22] =	ssyncset.done $0x0  }
0xa1: {  	[sflag:s22] =	ssyncadd.s32 s5;
	_ =	sdelay $0x1  }
0xa2: {  	s23 =	simm.s32 $0x1B8B  }
0xa3: {  	_ =	swait.ge [sflag:s23], $0x1  }
0xa4: {  	[sflag:s23] =	ssyncset.done $0x0  }
0xa5: {  	s25 =	simm.s32 $0x1B8E;
	s24 =	sld [smem:$0x3FFE];
	[sflag:s23] =	ssyncadd.s32 $0xFFFFFFFF  }
0xa6: {  	s26 =	simm.s32 $execute0_lowered;
	[smem:$0x3FD2] =	sst s25  }
0xa7: {  	s6 =	sshll.u32 s26, $0x1;
	_ =	strace $0x80000046;
	[dreg:$0x1] =	wrdreg $0xFFFFFFFF  }
0xa8: {  	s28 =	simm.s32 $_size_execute0_lowered;
	s4 =	sadd.s32 s4, s6;
	[dreg:$0x0] =	wrdreg $0x0  }
0xa9: {  	s6 =	sshll.u32 s28, $0x1;
	[dreg:$0x2] =	wrdreg s4  }
0xaa: {  	[dreg:$0x3] =	wrdreg s6  }
0xab: {  	[dreg:$0x4] =	wrdreg $0xC0  }
0xac: {  	_ =	task [dreg:s8], $0x5FFFF  }
0xad: {  	[dreg:$0x1] =	wrdreg $0xFFFFFFFF  }
0xae: {  	[dreg:$0x0] =	wrdreg $0x60  }
0xaf: {  	[dreg:$0x2] =	wrdreg s2  }
0xb0: {  	[dreg:$0x3] =	wrdreg s18  }
0xb1: {  	[dreg:$0x4] =	wrdreg s24  }
0xb2: {  	[dreg:$0x5] =	wrdreg $0x9  }
0xb3: {  	_ =	task.clear_ibuf [dreg:s8], $0x6FFFF;
	_ =	strace $0x90000046  }
0xb4: {  	s29 =	simm.s32 $0x9;
	_ =	strace $0x80000048  }
0xb5: {  	_ =	swait.ge [sflag:s29], $0x1  }
0xb6: {  	[sflag:s29] =	ssyncadd.s32 $0xFFFFFFFF  }
0xb7: {  	_ =	strace $0x90000048  }
0xb8: {  	_ =	sfence  }
0xb9: {  	s30 =	sld [smem:$0x0];
	_ =	sdelay $0x2  }
0xba: {  	s31 =	sshll.u32 s1, $0xD;
	s1 =	sshrl.u32 s1, $0x2  }
0xbb: {  	s3 =	sand.u32 $0x4000, s31;
	s1 =	sadd.s32 s1, s30  }
0xbc: {  	s0 =	sor.u32 s3, s0;
	s1 =	sshll.u32 s1, $0x11  }
0xbd: {  	s0 =	sor.u32 s1, s0  }
0xbe: {  	s0 =	sadd.s32 $0x8F2B, s0  }
0xbf: {  	[sflag:s0] =	ssyncadd.remote.s32 $0x1  }
0xc0: {  	_ =	sfence.sel $0xFFFF  }
0xc1: {  	[dreg:$0x0] =	wrdreg $0xFFFFFFFF;
	(pc) =	sbr.abs _section_cstart, $3  }
0xc2: {  	[dreg:$0x1] =	wrdreg $0xFFFFFFFF  }
0xc3: {  	_ =	task.clear_ibuf [dreg:s8], $0x2FFFF;
	_ =	strace $0x9FFFFFFF  }
0xc4: {  	(tm) =	ssettm $0x7FFFFFFF  }
0xc5: {  	_ =	shalt  }
tec
execute0_lowered:
.L_overlay_start_1:
0x0: {  	(tag) =	ssettag $0x1  }
0x1: {  	s3 =	rddreg [dreg:$0x0]  }
0x2: {  	s4 =	rddreg [dreg:$0x1]  }
0x3: {  	s5 =	rddreg [dreg:$0x2]  }
0x4: {  	s0 =	rddreg [dreg:$0x3];
	s6 =	srdreg.scid  }
0x5: {  	s2 =	simm.s32 $0x0;
	s1 =	stileid.u32;
	s12 =	simm.s32 $0x2000  }
0x6: {  	s13 =	simm.s32 $0x200;
	s15 =	simm.s32 $0x600;
	s16 =	simm.s32 $0x1  }
0x7: {  	s17 =	simm.s32 $0x12800;
	s18 =	simm.s32 $0x2;
	s19 =	simm.s32 $0x0  }
0x8: {  	s6 =	sand.u32 $0x1, s6;
	s7 =	sshrl.u32 s1, $0x3;
	s11 =	smul.u32 $0x180, s1  }
0x9: {  	s8 =	sshll.u32 s1, $0x7;
	[smem:$0x7FF] =	sst s2;
	s14 =	smul.u32 $0xC0, s6  }
0xa: {  	s9 =	sshll.u32 s6, $0xB;
	s10 =	sshll.u32 s7, $0xA;
	s8 =	sand.u32 $0x380, s8  }
0xb: {  	_ =	strace $0x80000047;
	s7 =	sshll.u32 s7, $0xC;
	s6 =	ssub.s32 $0x2, s6  }
0xc: {  	s9 =	sor.u32 s9, s10;
	s7 =	sor.u32 s8, s7;
	s31 =	sshrl.u32 s6, $0x1  }
0xd: {  	s9 =	sor.u32 s8, s9;
	s30 =	sadd.s32 s14, s11;
	s7 =	sshrl.u32 s7, $0x3  }
0xe: {  	s6 =	ssub.s32 s6, s31;
	s11 =	simm.s32 $0x80;
	v0 =	vmov s14;
	s14 =	simm.s32 $0x400  }
0xf: {  	s9 =	sshrl.u32 s9, $0x3;
	s10 =	sshrl.u32 s30, $0x3;
	s4 =	sadd.s32 s4, s7  }
0x10: {  	s6 =	smax.u32 s6, $0x1;
	s10 =	smul.u32 $0x180, s10;
	s5 =	sadd.s32 s9, s5  }
0x11: {  	s7 =	sadd.s32 $0x80, s4;
	s8 =	sadd.s32 $0x100, s4;
	s9 =	sadd.s32 $0x180, s4  }
0x12: {  	v1 =	vimm.f32 $0.0e+00;
	vm0 =	vcmask $0x704;
	vm1 =	vcmask $0x3F04;
	s5 =	sadd.s32 $0x200, s5;
	s3 =	sadd.s32 s3, s10;
	s10 =	simm.s32 $0x800  }
.LBB2_1:
0x13: {  	[tilespmem:s10], [sflag:$0x1] =	stream.linear.gather [hbm4b:s3+s2], $0x12000, $0x38;
	[tilespmem:$0x12880] =	vst v63  }
0x14: {  	_ = 	snop  }
0x15: {  	[tilespmem:s2], [sflag:$0x1] =	stream.strided.gather [hbm4b:s4+s11], $0x180, s12, s11, $0x38;
	[tilespmem:$0x12880] =	vst v63  }
0x16: {  	_ = 	snop  }
0x17: {  	[tilespmem:s13], [sflag:$0x1] =	stream.strided.gather [hbm4b:s7+s11], $0x180, s12, s11, $0x38;
	[tilespmem:$0x12880] =	vst v63  }
0x18: {  	_ = 	snop  }
0x19: {  	[tilespmem:s14], [sflag:$0x1] =	stream.strided.gather [hbm4b:s8+s11], $0x180, s12, s11, $0x38;
	[tilespmem:$0x12880] =	vst v63  }
0x1a: {  	_ = 	snop  }
0x1b: {  	[tilespmem:s15], [sflag:$0x1] =	stream.strided.gather [hbm4b:s9+s11], $0x180, s12, s11, $0x38;
	[tilespmem:$0x12880] =	vst v63  }
0x1c: {  	_ =	swait.ge [sflag:s16], $0x12000  }
0x1d: {  	[sflag:s16] =	ssyncset.done $0x0  }
0x1e: {  	[sflag:s16] =	ssyncadd.s32 $0xFFFEE000  }
0x1f: {  	_ =	swait.ge [sflag:s16], $0x600  }
0x20: {  	s20 =	sand.u32 $0x40, s2;
	s21 =	sand.u32 $0x600, s2;
	[sflag:s16] =	ssyncset.done $0x0  }
0x21: {  	s20 =	sor.u32 s20, s21;
	[sflag:s16] =	ssyncadd.s32 $0xFFFFFA00  }
0x22: {  	v2 =	vld [tilespmem:s20+$0xB0]  }
0x23: {  	v3 =	vld [tilespmem:s20+$0x0]  }
0x24: {  	v4 =	vld [tilespmem:s20+$0x20]  }
0x25: {  	v5 =	vld [tilespmem:s20+$0x30]  }
0x26: {  	p0 =	por $0x0, $0x0;
	s22 =	simm.s32 $0x1;
	v7 =	vld [tilespmem:s20+$0x90]  }
0x27: {  	s22 =	simm.s32 @!p0 $0x0;
	v8 =	vld [tilespmem:s20+$0xA0]  }
0x28: {  	s25 =	sshll.u32 s22, $0x6;
	v9 =	vld [tilespmem:s20+$0x80]  }
0x29: {  	s21 =	sadd.s32 $0x0, s25;
	v10 =	vld [tilespmem:s20+$0x10]  }
0x2a: {  	s29 =	simm.s32 $0x40;
	s31 =	simm.s32 $0x100;
	s26 =	sadd.s32 $0x10, s21  }
0x2b: {  	s24 =	sand.u32 $0x40, s29;
	s25 =	sand.u32 $0x600, s31;
	s22 =	sor.u32 $0x100, s26;
	v2 =	vtrunc.f32 v2;
	v3 =	vtrunc.f32 v3  }
0x2c: {  	v6 =	vld [tilespmem:s22+$0x0];
	s22 =	sor.u32 s24, s25;
	v4 =	vtrunc.f32 v4;
	v5 =	vtrunc.f32 v5  }
0x2d: {  	v18 =	vld [tilespmem:s22+$0x80];
	v7 =	vtrunc.f32 v7;
	v8 =	vtrunc.f32 v8  }
0x2e: {  	v21 =	vld [tilespmem:s22+$0xA0];
	v9 =	vtrunc.f32 v9;
	v10 =	vtrunc.f32 v10  }
0x2f: {  	v2 =	vcvt.f32.s32 v2;
	v4 =	vcvt.f32.s32 v4  }
0x30: {  	v5 =	vcvt.f32.s32 v5;
	v7 =	vcvt.f32.s32 v7  }
0x31: {  	v8 =	vcvt.f32.s32 v8;
	v10 =	vcvt.f32.s32 v10  }
0x32: {  	vm2 =	vgt.f32 v6, $0.0e+00;
	v3 =	vcvt.f32.s32 v3;
	v9 =	vcvt.f32.s32 v9  }
0x33: {  	v18 =	vtrunc.f32 v18;
	v21 =	vtrunc.f32 v21;
	v4 =	vsub.s32 v4, v0  }
0x34: {  	v11 =	vshll.u32 v2, $0x3;
	v12 =	vshll.u32 v7, $0x3;
	v14 =	vshll.u32 v8, $0x3  }
0x35: {  	v5 =	vsub.s32 v5, v0;
	v8 =	vand.u32 $0x7F, v8;
	v10 =	vsub.s32 v10, v0  }
0x36: {  	v3 =	vsub.s32 v3, v0;
	v16 =	vshll.u32 v9, $0x3;
	vm5 =	vlt.u32 v4, $0xC0  }
0x37: {  	v17 =	vand.u32 $0x7F, v2;
	v7 =	vand.u32 $0x7F, v7;
	v4 =	vnsel vm5, $0x0, v4  }
0x38: {  	v12 =	vand.u32 $0xFFFFFC00, v12;
	v14 =	vand.u32 $0xFFFFFC00, v14;
	v13 =	vshrl.u32 v4, $0x3  }
0x39: {  	vm4 =	vlt.u32 v5, $0xC0;
	vm6 =	vlt.u32 v10, $0xC0;
	v13 =	vmul.u32 $0xC00, v13  }
0x3a: {  	vm3 =	vlt.u32 v3, $0xC0;
	v11 =	vand.u32 $0xFFFFFC00, v11;
	v4 =	vshll.u32 v4, $0x7  }
0x3b: {  	s28 =	sor.u32 $0x100, s21;
	s23 =	sadd.s32 $0x20, s21;
	s21 =	sadd.s32 $0x30, s21;
	v10 =	vnsel vm6, $0x0, v10;
	v4 =	vand.u32 $0x380, v4;
	v13 =	vadd.s32 v14, v13  }
0x3c: {  	s21 =	sor.u32 $0x100, s21;
	v5 =	vnsel vm4, $0x0, v5;
	v4 =	vor.u32 v4, v13;
	v13 =	vshrl.u32 v10, $0x3  }
0x3d: {  	v2 =	vld [tilespmem:s21+$0x0];
	v4 =	vor.u32 v8, v4;
	v8 =	vshrl.u32 v5, $0x3;
	v13 =	vmul.u32 $0xC00, v13  }
0x3e: {  	s30 =	sor.u32 $0x100, s23;
	v16 =	vand.u32 $0xFFFFFC00, v16;
	v3 =	vnsel vm3, $0x0, v3;
	v14 =	vld [tilespmem:s28+$0x0];
	v8 =	vmul.u32 $0xC00, v8  }
0x3f: {  	vm2 =	vmand vm6, vm2;
	v10 =	vshll.u32 v10, $0x7;
	v12 =	vadd.s32 v12, v13;
	v13 =	vld [tilespmem:s30+$0x0]  }
0x40: {  	v15 =	vshrl.u32 v3, $0x3;
	v10 =	vand.u32 $0x380, v10;
	v8 =	vadd.s32 v11, v8;
	v11 =	vld [tilespmem:s22+$0xB0]  }
0x41: {  	p0 =	por !p0, !p0;
	s23 =	simm.s32 $0x1;
	v15 =	vmul.u32 $0xC00, v15;
	v5 =	vshll.u32 v5, $0x7;
	v10 =	vor.u32 v10, v12;
	v12 =	vld [tilespmem:s22+$0x0]  }
0x42: {  	s23 =	simm.s32 @!p0 $0x0;
	v3 =	vshll.u32 v3, $0x7;
	v5 =	vand.u32 $0x380, v5;
	v7 =	vor.u32 v7, v10;
	v10 =	vld [tilespmem:s22+$0x90]  }
0x43: {  	s26 =	sshll.u32 s23, $0x6;
	vm6 =	vgt.f32 v14, $0.0e+00;
	v8 =	vor.u32 v5, v8;
	v5 =	vadd.s32 v16, v15;
	v15 =	vld [tilespmem:s22+$0x20]  }
0x44: {  	s20 =	sadd.s32 $0x100, s26;
	v9 =	vand.u32 $0x7F, v9;
	v3 =	vand.u32 $0x380, v3;
	vm3 =	vmand vm3, vm6;
	v4 =	vld.idx.msk [tilespmem:v4+s10+$0x0], $0xffff  }
0x45: {  	s28 =	sadd.s32 $0x10, s20;
	vm6 =	vgt.f32 v2, $0.0e+00;
	v16 =	vsel vm2, $0x3F800000, v1;
	v3 =	vor.u32 v3, v5;
	v5 =	vld [tilespmem:s22+$0x30]  }
0x46: {  	s21 =	sor.u32 $0x100, s28;
	vm4 =	vmand vm4, vm6;
	v19 =	vsel vm3, $0x3F800000, v1;
	v9 =	vor.u32 v9, v3  }
0x47: {  	v3 =	vld [tilespmem:s21+$0x0];
	v19 =	vadd.f32 v19, v1;
	vm7 =	vgt.f32 v13, $0.0e+00;
	v11 =	vtrunc.f32 v11  }
0x48: {  	v12 =	vtrunc.f32 v12;
	vm6 =	vmand vm5, vm7;
	v11 =	vcvt.f32.s32 v11  }
0x49: {  	v16 =	vadd.f32 v16, v19;
	v10 =	vtrunc.f32 v10;
	v15 =	vtrunc.f32 v15  }
0x4a: {  	v7 =	vld.idx.msk [tilespmem:v7+s10+$0x0], $0xffff;
	v24 =	vsel vm6, $0x3F800000, v1;
	v4 =	vsub.f32 v4, v13;
	v20 =	vtrunc.f32 v5  }
0x4b: {  	v13 =	vld [tilespmem:s22+$0x10];
	v5 =	vsel vm4, $0x3F800000, v1;
	v10 =	vcvt.f32.s32 v10;
	v15 =	vcvt.f32.s32 v15  }
0x4c: {  	v20 =	vcvt.f32.s32 v20;
	vm8 =	vgt.f32 v3, $0.0e+00;
	v9 =	vld.idx.msk [tilespmem:v9+s10+$0x0], $0xffff;
	v22 =	vshll.u32 v11, $0x3  }
0x4d: {  	v4 =	vand.u32 $0x7FFFFFFF, v4;
	v23 =	vshll.u32 v10, $0x3;
	v15 =	vsub.s32 v15, v0  }
0x4e: {  	v22 =	vand.u32 $0xFFFFFC00, v22;
	v10 =	vand.u32 $0x7F, v10;
	v19 =	vand.u32 $0xFFFFFC00, v23  }
0x4f: {  	v20 =	vsub.s32 v20, v0;
	vm5 =	vlt.u32 v15, $0xC0;
	v23 =	vor.u32 v17, v8  }
0x50: {  	v6 =	vsub.f32 v7, v6;
	v7 =	vadd.f32 v24, v16;
	v16 =	vcvt.f32.s32 v21  }
0x51: {  	v15 =	vnsel vm5, $0x0, v15;
	v13 =	vtrunc.f32 v13;
	v9 =	vsub.f32 v9, v14  }
0x52: {  	v14 =	vcvt.f32.s32 v12;
	v12 =	vand.u32 $0x7FFFFFFF, v6;
	v6 =	vshrl.u32 v15, $0x3  }
0x53: {  	v13 =	vcvt.f32.s32 v13;
	v21 =	vshll.u32 v16, $0x3;
	v6 =	vmul.u32 $0xC00, v6  }
0x54: {  	vm7 =	vlt.u32 v20, $0xC0;
	v8 =	vand.u32 $0xFFFFFC00, v21;
	v14 =	vsub.s32 v14, v0  }
0x55: {  	v13 =	vsub.s32 v13, v0;
	vm9 =	vlt.u32 v14, $0xC0;
	v6 =	vadd.s32 v8, v6  }
0x56: {  	vm10 =	vlt.u32 v13, $0xC0;
	v21 =	vnsel vm9, $0x0, v14;
	v14 =	vshll.u32 v15, $0x7  }
0x57: {  	v15 =	vnsel vm7, $0x0, v20;
	v13 =	vnsel vm10, $0x0, v13;
	v8 =	vand.u32 $0x380, v14  }
0x58: {  	v14 =	vand.u32 $0x7F, v16;
	v6 =	vor.u32 v8, v6;
	v8 =	vshrl.u32 v15, $0x3  }
0x59: {  	v17 =	vshrl.u32 v13, $0x3;
	v16 =	vmul.u32 $0xC00, v8;
	v8 =	vshrl.u32 v21, $0x3  }
0x5a: {  	v20 =	vor.u32 v14, v6;
	v14 =	vcvt.f32.s32 v18;
	v18 =	vmul.u32 $0xC00, v17  }
0x5b: {  	v13 =	vshll.u32 v13, $0x7;
	v15 =	vshll.u32 v15, $0x7;
	v17 =	vmul.u32 $0xC00, v8  }
0x5c: {  	s29 =	sor.u32 $0x100, s20;
	s30 =	sadd.s32 $0x20, s20;
	v8 =	vand.u32 $0x7F, v11;
	v11 =	vand.u32 $0x380, v13;
	v25 =	vadd.s32 v19, v18;
	v18 =	vld.idx.msk [tilespmem:v23+s10+$0x0], $0xffff  }
0x5d: {  	s31 =	sor.u32 $0x100, s30;
	v6 =	vld [tilespmem:s29+$0x0];
	v63 =	vshll.u32 v14, $0x3;
	v22 =	vadd.s32 v22, v16;
	v11 =	vor.u32 v11, v25  }
0x5e: {  	p0 =	por !p0, !p0;
	s20 =	sadd.s32 $0x30, s20;
	v13 =	vld [tilespmem:s31+$0x0];
	v23 =	vand.u32 $0x380, v15;
	v19 =	vand.u32 $0xFFFFFC00, v63;
	v15 =	vor.u32 v10, v11  }
0x5f: {  	s23 =	simm.s32 $0x80;
	s21 =	sor.u32 $0x100, s20;
	s20 =	simm.s32 $0x200;
	v11 =	vor.u32 v23, v22;
	v10 =	vimm.f32 $0.0e+00;
	v16 =	vld.idx.msk [tilespmem:v20+s10+$0x0], $0xffff;
	v20 =	vshll.u32 v21, $0x7  }
.LBB2_2:
0x60: {  	s24 =	sand.u32 $0x40, s23;
	s22 =	smov.u32 s23  }
0x61: {  	s25 =	sand.u32 $0x600, s20;
	v12 =	vnsel vm2, $0x0, v12;
	vm2 =	vmand vm10, vm8;
	v18 =	vsub.f32 v18, v2;
	s26 =	simm.s32 $0x1;
	s22 =	sadd.s32 $0x40, s23  }
0x62: {  	p1 =	sne.s32 s23, $0x1C0;
	vm8 =	vgt.f32 v6, $0.0e+00;
	v17 =	vadd.s32 v19, v17;
	v19 =	vand.u32 $0x380, v20;
	s26 =	simm.s32 @!p0 $0x0;
	s24 =	sor.u32 s24, s25;
	v2 =	vld [tilespmem:s21+$0x0]  }
0x63: {  	v14 =	vand.u32 $0x7F, v14;
	v17 =	vor.u32 v19, v17;
	s21 =	sshll.u32 s26, $0x6;
	v18 =	vand.u32 $0x7FFFFFFF, v18;
	v20 =	vld [tilespmem:s24+$0xB0]  }
0x64: {  	v9 =	vand.u32 $0x7FFFFFFF, v9;
	v14 =	vor.u32 v14, v17;
	v17 =	vnsel vm6, $0x0, v4;
	s21 =	sadd.s32 s21, s20;
	v19 =	vld [tilespmem:s24+$0x90]  }
0x65: {  	v9 =	vnsel vm3, $0x0, v9;
	vm3 =	vmand vm9, vm8;
	s25 =	sor.u32 $0x100, s21;
	s23 =	sadd.s32 $0x10, s21;
	s26 =	sadd.s32 $0x20, s21;
	v4 =	vsub.f32 v16, v13;
	v21 =	vld [tilespmem:s24+$0x30]  }
0x66: {  	v7 =	vadd.f32 v5, v7;
	v9 =	vadd.f32 v9, v10;
	v10 =	vnsel vm4, $0x0, v18;
	s21 =	sadd.s32 $0x30, s21;
	s28 =	sor.u32 $0x100, s23;
	s23 =	sor.u32 $0x100, s26;
	v16 =	vld [tilespmem:s24+$0x0]  }
0x67: {  	s21 =	sor.u32 $0x100, s21;
	v4 =	vand.u32 $0x7FFFFFFF, v4;
	v18 =	vld [tilespmem:s24+$0x20]  }
0x68: {  	v9 =	vadd.f32 v12, v9;
	vm4 =	vgt.f32 v2, $0.0e+00;
	v22 =	vld [tilespmem:s28+$0x0];
	v5 =	vtrunc.f32 v20  }
0x69: {  	vm6 =	vgt.f32 v13, $0.0e+00;
	vm4 =	vmand vm7, vm4;
	v12 =	vld.idx.msk [tilespmem:v15+s10+$0x0], $0xffff;
	v15 =	vsel vm2, $0x3F800000, v1  }
0x6a: {  	v23 =	vsel vm3, $0x3F800000, v1;
	v9 =	vadd.f32 v17, v9;
	v20 =	vcvt.f32.s32 v5;
	v13 =	vld [tilespmem:s24+$0x80]  }
0x6b: {  	v5 =	vsel vm4, $0x3F800000, v1;
	v21 =	vtrunc.f32 v21;
	v16 =	vtrunc.f32 v16;
	v17 =	vld [tilespmem:s24+$0x10]  }
0x6c: {  	v10 =	vadd.f32 v10, v9;
	v19 =	vtrunc.f32 v19;
	v21 =	vcvt.f32.s32 v21;
	v14 =	vld.idx.msk [tilespmem:v14+s10+$0x0], $0xffff  }
0x6d: {  	vm6 =	vmand vm5, vm6;
	v24 =	vcvt.f32.s32 v19;
	vm8 =	vgt.f32 v22, $0.0e+00;
	v9 =	vld [tilespmem:s24+$0xA0]  }
0x6e: {  	v7 =	vadd.f32 v23, v7;
	v19 =	vshll.u32 v20, $0x3;
	v18 =	vtrunc.f32 v18  }
0x6f: {  	v26 =	vsel vm6, $0x3F800000, v1;
	v25 =	vshll.u32 v24, $0x3;
	v18 =	vcvt.f32.s32 v18;
	v23 =	vld [tilespmem:s25+$0x0]  }
0x70: {  	v7 =	vadd.f32 v15, v7;
	v13 =	vtrunc.f32 v13;
	v17 =	vtrunc.f32 v17  }
0x71: {  	v25 =	vand.u32 $0xFFFFFC00, v25;
	v12 =	vsub.f32 v12, v3;
	v3 =	vmovc v22;
	v15 =	vcvt.f32.s32 v17  }
0x72: {  	v7 =	vadd.f32 v26, v7;
	v17 =	vsub.s32 v18, v0;
	v9 =	vtrunc.f32 v9  }
0x73: {  	v21 =	vsub.s32 v21, v0;
	v18 =	vcvt.f32.s32 v9;
	v9 =	vsub.f32 v14, v6  }
0x74: {  	vm5 =	vlt.u32 v17, $0xC0;
	v14 =	vcvt.f32.s32 v16;
	v15 =	vsub.s32 v15, v0;
	v6 =	vmovc v23  }
0x75: {  	v12 =	vand.u32 $0x7FFFFFFF, v12;
	v16 =	vnsel vm5, $0x0, v17;
	v17 =	vshll.u32 v18, $0x3  }
0x76: {  	v8 =	vor.u32 v8, v11;
	v22 =	vshrl.u32 v16, $0x3;
	v14 =	vsub.s32 v14, v0  }
0x77: {  	vm7 =	vlt.u32 v21, $0xC0;
	v11 =	vmul.u32 $0xC00, v22;
	vm9 =	vlt.u32 v14, $0xC0  }
0x78: {  	v16 =	vshll.u32 v16, $0x7;
	v22 =	vnsel vm9, $0x0, v14;
	v14 =	vand.u32 $0xFFFFFC00, v17  }
0x79: {  	v11 =	vadd.s32 v14, v11;
	v14 =	vand.u32 $0x380, v16;
	v16 =	vnsel vm7, $0x0, v21  }
0x7a: {  	vm10 =	vlt.u32 v15, $0xC0;
	v11 =	vor.u32 v14, v11;
	v14 =	vshrl.u32 v16, $0x3  }
0x7b: {  	v15 =	vnsel vm10, $0x0, v15;
	v17 =	vand.u32 $0x7F, v18;
	v21 =	vmul.u32 $0xC00, v14  }
0x7c: {  	v18 =	vshrl.u32 v15, $0x3;
	v23 =	vshrl.u32 v22, $0x3;
	v11 =	vor.u32 v17, v11  }
0x7d: {  	v26 =	vand.u32 $0xFFFFFC00, v19;
	v14 =	vcvt.f32.s32 v13;
	v13 =	vmul.u32 $0xC00, v18;
	v18 =	vld.idx.msk [tilespmem:v8+s10+$0x0], $0xffff  }
.Ltmp0:
0x7e: {  	v15 =	vshll.u32 v15, $0x7;
	v17 =	vmul.u32 $0xC00, v23;
	v23 =	vshll.u32 v16, $0x7;
	(pc) =	sbr.rel @p1 .LBB2_2-.Ltmp0, $4  }
0x7f: {  	v16 =	vshll.u32 v14, $0x3;
	v13 =	vadd.s32 v25, v13;
	v8 =	vand.u32 $0x7F, v20  }
0x80: {  	v15 =	vand.u32 $0x380, v15;
	v21 =	vadd.s32 v26, v21;
	v19 =	vand.u32 $0xFFFFFC00, v16  }
0x81: {  	v24 =	vand.u32 $0x7F, v24;
	v13 =	vor.u32 v15, v13;
	v16 =	vld.idx.msk [tilespmem:v11+s10+$0x0], $0xffff;
	v11 =	vand.u32 $0x380, v23  }
0x82: {  	p0 =	por !p0, !p0;
	s20 =	sadd.s32 $0x100, s20;
	v20 =	vshll.u32 v22, $0x7;
	v15 =	vor.u32 v24, v13;
	v13 =	vld [tilespmem:s23+$0x0];
	v11 =	vor.u32 v11, v21;
	s23 =	smov.u32 s22  }
0x83: {  	v17 =	vadd.s32 v19, v17;
	v48 =	vand.u32 $0x380, v20  }
0x84: {  	v14 =	vand.u32 $0x7F, v14;
	v17 =	vor.u32 v48, v17  }
0x85: {  	v14 =	vor.u32 v14, v17;
	_ =	sdelay $0x3  }
0x86: {  	v9 =	vand.u32 $0x7FFFFFFF, v9  }
0x87: {  	v8 =	vor.u32 v8, v11;
	v9 =	vnsel vm3, $0x0, v9;
	v14 =	vld.idx.msk [tilespmem:v14+s10+$0x0], $0xffff  }
0x88: {  	v9 =	vadd.f32 v9, v10  }
0x89: {  	v49 =	vnsel vm2, $0x0, v12;
	v2 =	vsub.f32 v18, v2;
	v50 =	vld.idx.msk [tilespmem:v15+s10+$0x0], $0xffff  }
0x8a: {  	vm2 =	vmand vm10, vm8;
	v4 =	vnsel vm6, $0x0, v4;
	v9 =	vadd.f32 v49, v9  }
0x8b: {  	v51 =	vld [tilespmem:s21+$0x0];
	v5 =	vadd.f32 v5, v7;
	vm3 =	vgt.f32 v6, $0.0e+00;
	v2 =	vand.u32 $0x7FFFFFFF, v2  }
0x8c: {  	vm3 =	vmand vm9, vm3;
	v8 =	vld.idx.msk [tilespmem:v8+s10+$0x0], $0xffff;
	v4 =	vadd.f32 v4, v9;
	v53 =	vsub.f32 v14, v6  }
0x8d: {  	v56 =	vsel vm2, $0x3F800000, v1;
	v2 =	vnsel vm4, $0x0, v2;
	v57 =	vsel vm3, $0x3F800000, v1  }
0x8e: {  	v3 =	vsub.f32 v50, v3;
	v2 =	vadd.f32 v2, v4;
	v55 =	vand.u32 $0x7FFFFFFF, v53  }
0x8f: {  	v52 =	vsub.f32 v16, v13;
	v58 =	vadd.f32 v57, v5;
	v4 =	vnsel vm3, $0x0, v55  }
0x90: {  	vm15 =	vgt.f32 v51, $0.0e+00;
	v3 =	vand.u32 $0x7FFFFFFF, v3;
	v2 =	vadd.f32 v4, v2  }
0x91: {  	v3 =	vnsel vm2, $0x0, v3;
	v59 =	vsub.f32 v8, v51;
	vm3 =	vgt.f32 v13, $0.0e+00  }
0x92: {  	v54 =	vand.u32 $0x7FFFFFFF, v52;
	vm2 =	vmand vm5, vm3;
	v2 =	vadd.f32 v3, v2  }
0x93: {  	v5 =	vand.u32 $0x7FFFFFFF, v59;
	v60 =	vnsel vm2, $0x0, v54;
	v3 =	vadd.f32 v56, v58  }
0x94: {  	vm3 =	vmand vm7, vm15;
	v61 =	vsel vm2, $0x3F800000, v1;
	v2 =	vadd.f32 v60, v2  }
0x95: {  	v62 =	vnsel vm3, $0x0, v5;
	v3 =	vadd.f32 v61, v3  }
0x96: {  	v63 =	vsel vm3, $0x3F800000, v1;
	v2 =	vadd.f32 v62, v2  }
0x97: {  	v3 =	vadd.f32 v63, v3  }
0x98: {  	(xrf2) =	vadd.scan.msk.f32 $0xffff, v2  }
0x99: {  	(xrf2) =	vadd.scan.msk.f32 $0xffff, v3;
	_ =	sdelay $0x8  }
0x9a: {  	v2, _, _ =	vpop (xrf2)  }
0x9b: {  	v3, _, _ =	vpop (xrf2)  }
0x9c: {  	v3 =	vbroadcast v3, $0xF  }
0x9d: {  	v2 =	vbroadcast v2, $0xF  }
0x9e: {  	s19 =	sadd.s32 $0x1, s19;
	v3 =	vnsel vm0, $0x0, v3  }
0x9f: {  	p0 =	sne.s32 s19, s6;
	v2 =	vsel vm1, v3, v2  }
.Ltmp1:
0xa0: {  	[tilespmem:$0x12800] =	vst v2;
	(pc) =	sbr.rel @p0 .LBB2_1-.Ltmp1, $4  }
0xa1: {  	[hbm4b:s5+s2] =	stream.linear.scatter [tilespmem:s17], [sflag:$0x2], $0x80, $0x38;
	[tilespmem:$0x12880] =	vst v63  }
0xa2: {  	_ =	swait.ge [sflag:s18], $0x80  }
0xa3: {  	[sflag:s18] =	ssyncset.done $0x0  }
0xa4: {  	[sflag:s18] =	ssyncadd.s32 $0xFFFFFF80  }
0xa5: {  	_ =	sfence.sel $0x180000  }
0xa6: {  	[bflag:$0x0] =	sbarrier.arrive $0xFFFF  }
0xa7: {  	p0 =	sne.s32 s1, $0x0;
	_ =	strace $0x90000047  }
0xa8: {  	s0 =	sadd.s32 @!p0 $0x100000, s0;
	[bflag:$0x2] =	sbarrier.arrive $0xFFFF  }
0xa9: {  	[sflag:s0] =	ssyncadd.tile.s32 @!p0 $0x1;
	_ =	shalt  }
.Lfunc_end2:
_tile_overlayer_lowered:
.L_overlay_start_2:
0xaa: {  	(tag) =	ssettag $0x2  }
0xab: {  	s0 =	rddreg [dreg:$0x0];
	s2 =	stileid.u32  }
0xac: {  	s1 =	rddreg [dreg:$0x1];
	p0 =	sne.s32 s2, $0x0  }
0xad: {  	s3 =	rddreg [dreg:$0x2];
	[bflag:$0x3] =	sbarrier.arrive $0xFFFF;
	s2 =	simm.s32 @!p0 $0x1C02  }
0xae: {  	[timem:s3], [sflag:s2] =	dma.local @!p0 [hbm:s0], s1  }
0xaf: {  	s0 =	simm.s32 @!p0 $0x2  }
0xb0: {  	_ =	swait.ge @!p0 [sflag:s0], s1  }
0xb1: {  	s1 =	ssub.s32 @!p0 $0x0, s1;
	[sflag:s0] =	ssyncset.done @!p0 $0x0  }
0xb2: {  	[sflag:s0] =	ssyncadd.s32 @!p0 s1  }
0xb3: {  	[bflag:$0x3] =	sbarrier.arrive $0xFFFF  }
0xb4: {  	_ =	shalt  }

</sc_bundles>
